<compile_context>
chip_gen: v7x
topology: tpu7x:2x2x1
jax: 0.10.2.dev20260603
libtpu: 0.0.44.dev20260713+nightly
codegen_flags: <defaults>
</compile_context>

<pallas_src>
import functools

import jax
import jax.numpy as jnp
from jax import lax
from jax.experimental import pallas as pl
from jax.experimental.pallas import tpu as pltpu
from jax.experimental.pallas import tpu_sc as plsc

_B = 64
_T = 1000
_BB = 8
_L = 16


def _sc_gather_body(sac_hbm, somac_hbm, t_hbm, c1_hbm, c2_hbm,
                    t_v, c1_v, c2_v, sem1, sem2):
    wid = lax.axis_index("s") * 2 + lax.axis_index("c")

    @pl.when(wid == 0)
    def _():
        pltpu.sync_copy(t_hbm, t_v)
        cp1 = pltpu.async_copy(sac_hbm.at[t_v], c1_v, sem1)
        cp2 = pltpu.async_copy(somac_hbm.at[t_v], c2_v, sem2)
        cp1.wait()
        cp2.wait()
        pltpu.sync_copy(c1_v, c1_hbm)
        pltpu.sync_copy(c2_v, c2_hbm)


@jax.jit
def _sc_gather(sac, somac, t):
    f32 = jnp.float32
    return pl.kernel(
        _sc_gather_body,
        mesh=plsc.VectorSubcoreMesh(core_axis_name="c", subcore_axis_name="s"),
        out_type=[jax.ShapeDtypeStruct((_B,), f32),
                  jax.ShapeDtypeStruct((_B,), f32)],
        scratch_types=[
            pltpu.VMEM((_B,), jnp.int32),
            pltpu.VMEM((_B,), f32),
            pltpu.VMEM((_B,), f32),
            pltpu.SemaphoreType.DMA,
            pltpu.SemaphoreType.DMA,
        ],
    )(sac, somac, t)


def _fma_body(c1_ref, c2_ref, x_ref, n_ref, o_ref):
    i = pl.program_id(0)
    for r in range(_BB):
        c1 = c1_ref[i * _BB + r]
        c2 = c2_ref[i * _BB + r]
        o_ref[r] = c1 * x_ref[r] + c2 * n_ref[r]


@jax.jit
def _tc_fma(c1, c2, x, n):
    blk = (_BB,) + x.shape[1:]
    imap = lambda i: (i, 0, 0, 0)
    smem_spec = pl.BlockSpec(memory_space=pltpu.SMEM)
    return pl.pallas_call(
        _fma_body,
        grid=(_B // _BB,),
        in_specs=[
            smem_spec,
            smem_spec,
            pl.BlockSpec(blk, imap),
            pl.BlockSpec(blk, imap),
        ],
        out_specs=pl.BlockSpec(blk, imap),
        out_shape=jax.ShapeDtypeStruct(x.shape, jnp.float32),
    )(c1, c2, x, n)


def kernel(x_start, noise, sqrt_alphas_cumprod, sqrt_one_minus_alphas_cumprod, t):
    c1, c2 = _sc_gather(sqrt_alphas_cumprod, sqrt_one_minus_alphas_cumprod, t)
    return _tc_fma(c1, c2, x_start, noise)

# --- scband reference (transcript-rebuilt; emitter-appended) ---
"""Pipeline reference for scband-ddpmschedule-86535001080360 (READ-ONLY COPY).

The authoritative reference and input builder live on the scoring server;
editing this copy changes nothing except your own understanding.
"""

import jax, jax.numpy as jnp
import numpy as np


def _make_schedule(timesteps=1000, linear_start=0.00085, linear_end=0.012):
    # 'quad' beta schedule, float64 math like the torch reference
    betas = np.linspace(linear_start ** 0.5, linear_end ** 0.5, timesteps, dtype=np.float64) ** 2
    alphas = 1.0 - betas
    alphas_cumprod = np.cumprod(alphas, axis=0)
    sqrt_alphas_cumprod = np.sqrt(alphas_cumprod).astype(np.float32)
    sqrt_one_minus_alphas_cumprod = np.sqrt(1.0 - alphas_cumprod).astype(np.float32)
    return sqrt_alphas_cumprod, sqrt_one_minus_alphas_cumprod


def setup_inputs(seed: int = 0) -> dict:
    key = jax.random.key(seed)
    k1, k2, k3 = jax.random.split(key, 3)
    x_start = jax.random.normal(k1, (64, 4, 64, 64), dtype=jnp.float32)
    t = jax.random.randint(k2, (64,), 0, 1000)
    noise = jax.random.normal(k3, (64, 4, 64, 64), dtype=jnp.float32)
    sac, somac = _make_schedule()
    return {
        "x_start": x_start,
        "noise": noise,
        "sqrt_alphas_cumprod": jnp.asarray(sac),
        "sqrt_one_minus_alphas_cumprod": jnp.asarray(somac),
        "t": t,
    }


def _extract_into_tensor(a, t, x_shape):
    b = t.shape[0]
    out = jnp.take(a, t, axis=0)
    return out.reshape((b,) + (1,) * (len(x_shape) - 1))


def reference(x_start, noise, sqrt_alphas_cumprod, sqrt_one_minus_alphas_cumprod, t):
    # q_sample: sqrt(acp[t]) * x_start + sqrt(1-acp[t]) * noise
    c1 = _extract_into_tensor(sqrt_alphas_cumprod, t, x_start.shape)
    c2 = _extract_into_tensor(sqrt_one_minus_alphas_cumprod, t, x_start.shape)
    return c1 * x_start + c2 * noise

if __name__ == "__main__":
    import jax
    _d = setup_inputs()
    print(jax.jit(kernel)(*tuple(_d.values())))

</pallas_src>

<mosaic_0001>
#map = affine_map<(d0, d1) -> (0)>
module attributes {stable_mosaic.version = 14 : i64} {
  func.func @_sc_gather_body(%arg0: i32, %arg1: i32, %arg2: memref<1000xf32, #tpu.memory_space<hbm>>, %arg3: memref<1000xf32, #tpu.memory_space<hbm>>, %arg4: memref<64xi32, #tpu.memory_space<hbm>>, %arg5: memref<64xf32, #tpu.memory_space<hbm>>, %arg6: memref<64xf32, #tpu.memory_space<hbm>>, %arg7: memref<64xi32, #tpu.memory_space<vmem>>, %arg8: memref<64xf32, #tpu.memory_space<vmem>>, %arg9: memref<64xf32, #tpu.memory_space<vmem>>, %arg10: memref<!tpu.dma_semaphore, #tpu.memory_space<semaphore_mem>>, %arg11: memref<!tpu.dma_semaphore, #tpu.memory_space<semaphore_mem>>) attributes {dimension_semantics = [#tpu.dimension_semantics<core_parallel>, #tpu.dimension_semantics<subcore_parallel>], iteration_bounds = array<i64: 2, 16>, scalar_prefetch = 0 : i64, scratch_operands = 5 : i64, tpu.core_type = #tpu.core_type<sc_vector_subcore>, window_params = [{transform_indices = #map}, {transform_indices = #map}, {transform_indices = #map}, {transform_indices = #map}, {transform_indices = #map}]} {
    %mul3A = arith.constant 2 : i32
    %mul3A_0 = arith.muli %arg1, %mul3A : i32
    %add3A = arith.addi %mul3A_0, %arg0 : i32
    %eq3A = arith.constant 0 : i32
    %eq3A_1 = arith.cmpi eq, %add3A, %eq3A : i32
    %convert_element_type3A = arith.extui %eq3A_1 : i1 to i32
    %cond3A = arith.constant 0 : i32
    %cond3A_2 = arith.cmpi ne, %convert_element_type3A, %cond3A : i32
    scf.if %cond3A_2 {
      "tpu.region"() ({
        %run_scoped3A = tpu.sem_alloc : memref<!tpu.dma_semaphore, #tpu.memory_space<semaphore_mem>>
        tpu.enqueue_dma source(%arg4 : memref<64xi32, #tpu.memory_space<hbm>>) target(%arg7 : memref<64xi32, #tpu.memory_space<vmem>>) target_semaphore(%run_scoped3A : memref<!tpu.dma_semaphore, #tpu.memory_space<semaphore_mem>>)
        tpu.wait_dma2 semaphore(%run_scoped3A : memref<!tpu.dma_semaphore, #tpu.memory_space<semaphore_mem>>) src(%arg4 : memref<64xi32, #tpu.memory_space<hbm>>) dst(%arg7 : memref<64xi32, #tpu.memory_space<vmem>>)
        tpu.yield
      }) : () -> ()
      %dma_start3A = arith.constant 0 : i32
      %dma_start3A_3 = tpu.memref_slice %arg2[%dma_start3A] : memref<1000xf32, #tpu.memory_space<hbm>> -> memref<1000xf32, #tpu.memory_space<hbm>>
      tpu.enqueue_indirect_dma source(%dma_start3A_3 : memref<1000xf32, #tpu.memory_space<hbm>>) target(%arg8 : memref<64xf32, #tpu.memory_space<vmem>>) offsets(%arg7 : memref<64xi32, #tpu.memory_space<vmem>>) semaphore(%arg10 : memref<!tpu.dma_semaphore, #tpu.memory_space<semaphore_mem>>)
      %dma_start3A_4 = arith.constant 0 : i32
      %dma_start3A_5 = tpu.memref_slice %arg3[%dma_start3A_4] : memref<1000xf32, #tpu.memory_space<hbm>> -> memref<1000xf32, #tpu.memory_space<hbm>>
      tpu.enqueue_indirect_dma source(%dma_start3A_5 : memref<1000xf32, #tpu.memory_space<hbm>>) target(%arg9 : memref<64xf32, #tpu.memory_space<vmem>>) offsets(%arg7 : memref<64xi32, #tpu.memory_space<vmem>>) semaphore(%arg11 : memref<!tpu.dma_semaphore, #tpu.memory_space<semaphore_mem>>)
      %dma_wait3A = arith.constant 0 : i32
      %dma_wait3A_6 = tpu.memref_slice %arg2[%dma_wait3A] : memref<1000xf32, #tpu.memory_space<hbm>> -> memref<1000xf32, #tpu.memory_space<hbm>>
      tpu.wait_indirect_dma semaphore(%arg10 : memref<!tpu.dma_semaphore, #tpu.memory_space<semaphore_mem>>) src(%dma_wait3A_6 : memref<1000xf32, #tpu.memory_space<hbm>>) dst(%arg8 : memref<64xf32, #tpu.memory_space<vmem>>)
      %dma_wait3A_7 = arith.constant 0 : i32
      %dma_wait3A_8 = tpu.memref_slice %arg3[%dma_wait3A_7] : memref<1000xf32, #tpu.memory_space<hbm>> -> memref<1000xf32, #tpu.memory_space<hbm>>
      tpu.wait_indirect_dma semaphore(%arg11 : memref<!tpu.dma_semaphore, #tpu.memory_space<semaphore_mem>>) src(%dma_wait3A_8 : memref<1000xf32, #tpu.memory_space<hbm>>) dst(%arg9 : memref<64xf32, #tpu.memory_space<vmem>>)
      "tpu.region"() ({
        %run_scoped3A = tpu.sem_alloc : memref<!tpu.dma_semaphore, #tpu.memory_space<semaphore_mem>>
        tpu.enqueue_dma source(%arg8 : memref<64xf32, #tpu.memory_space<vmem>>) target(%arg5 : memref<64xf32, #tpu.memory_space<hbm>>) target_semaphore(%run_scoped3A : memref<!tpu.dma_semaphore, #tpu.memory_space<semaphore_mem>>)
        tpu.wait_dma2 semaphore(%run_scoped3A : memref<!tpu.dma_semaphore, #tpu.memory_space<semaphore_mem>>) src(%arg8 : memref<64xf32, #tpu.memory_space<vmem>>) dst(%arg5 : memref<64xf32, #tpu.memory_space<hbm>>)
        tpu.yield
      }) : () -> ()
      "tpu.region"() ({
        %run_scoped3A = tpu.sem_alloc : memref<!tpu.dma_semaphore, #tpu.memory_space<semaphore_mem>>
        tpu.enqueue_dma source(%arg9 : memref<64xf32, #tpu.memory_space<vmem>>) target(%arg6 : memref<64xf32, #tpu.memory_space<hbm>>) target_semaphore(%run_scoped3A : memref<!tpu.dma_semaphore, #tpu.memory_space<semaphore_mem>>)
        tpu.wait_dma2 semaphore(%run_scoped3A : memref<!tpu.dma_semaphore, #tpu.memory_space<semaphore_mem>>) src(%arg9 : memref<64xf32, #tpu.memory_space<vmem>>) dst(%arg6 : memref<64xf32, #tpu.memory_space<hbm>>)
        tpu.yield
      }) : () -> ()
    } else {
    }
    return
  }
}

</mosaic_0001>

<sc_bundles>
// kernel: _sc_gather.3.cloned.1.call-start
scs
__scs_entry_jumppad:
0x0: {  	(pc) =	sbr.rel $0x88, $3  }
0x1: {  	(tag) =	ssettag $0x0;
	lr =	simm.s32 $0x1  }
0x2: {  	[smem:$0x3F9E] =	sst lr;
	_ =	strace $0xD0000000  }
0x3: {  	_ = 	snop  }
0x4: {  	_ = 	snop  }
0x5: {  	_ = 	snop  }
0x6: {  	_ = 	snop  }
0x7: {  	_ = 	snop  }
__scs_overlays_trampoline_lowered:
0x8: {  	[smem:$0x3FAD] =	sst s0  }
0x9: {  	[smem:$0x3FAE] =	sst s1  }
0xa: {  	[smem:$0x3FAF] =	sst s2  }
0xb: {  	[smem:$0x3FB0] =	sst s3  }
0xc: {  	[smem:$0x3FB1] =	sst s4  }
0xd: {  	[smem:$0x3FB2] =	sst s5  }
0xe: {  	[smem:$0x3FB3] =	sst s6  }
0xf: {  	[smem:$0x3FB4] =	sst s7  }
0x10: {  	[smem:$0x3FB5] =	sst s8  }
0x11: {  	[smem:$0x3FB6] =	sst s9;
	s0 =	simm.s32 @!p0 $0x0  }
0x12: {  	s1 =	sld [smem:$0x3F9C];
	s0 =	simm.s32 @p0 $0x1  }
0x13: {  	[smem:$0x3FB7] =	sst s0;
	s0 =	simm.s32 @!p1 $0x0  }
0x14: {  	s2 =	sld [smem:$0x3F9B];
	s0 =	simm.s32 @p1 $0x1  }
0x15: {  	[smem:$0x3FB8] =	sst s0;
	s0 =	simm.s32 @!p2 $0x0  }
0x16: {  	s3 =	sld [smem:$0x3FDB];
	s0 =	simm.s32 @p2 $0x1  }
0x17: {  	s4 =	simm.s32 $0x1BF5;
	[smem:$0x3FBA] =	sst s0  }
0x18: {  	s0 =	sld [smem:$0x3F9D];
	_ =	swait.ge [sflag:s4], $0x0  }
0x19: {  	s7 =	sld [smem:$0x3F9E]  }
0x1a: {  	s8 =	sadd.s32 $0xFFFFE003, lr  }
0x1b: {  	s9 =	sadd.s32 $0xFFFFFEF7, lr;
	s5 =	simm.s32 $0xFFFFFFFF;
	p2 =	slt.u32 s8, $0xFFFFF086  }
0x1c: {  	p1 =	slt.u32 s9, $0xF7A;
	s5 =	simm.s32 @!p2 $0x0  }
0x1d: {  	s5 =	simm.s32 @p1 $0x1;
	p0 =	seq.s32 s7, s2  }
0x1e: {  	s7 =	smul.u32 @!p0 $0xF7A, s2;
	p2 =	seq.s32 @!p0 s5, $0x0  }
0x1f: {  	s9 =	smul.u32 $0xF7A, s1;
	s8 =	simm.s32 @!p0 $0x1BF5;
	p2 =	por !p2, p0  }
0x20: {  	[sflag:s8] =	ssyncset.s32 @!p0 $0xFFFFF086;
	s6 =	sadd.s32 @!p0 s3, s7;
	s7 =	simm.s32 @!p0 $0x108  }
0x21: {  	s3 =	sadd.s32 s3, s9;
	s6 =	sadd.s32 @!p0 $0x88, s6;
	s7 =	simm.s32 @p2 $0x1082  }
0x22: {  	[simem:s7], [sflag:s8] =	dma.local @!p0 [hbm:s6], $0xF7A  }
0x23: {  	s9 =	sor.u32 $0xD0000000, s2;
	s6 =	simm.s32 $0x108;
	_ =	swait.ge @!p0 [sflag:s8], $0x0  }
0x24: {  	s3 =	sadd.s32 $0x88, s3;
	s6 =	simm.s32 @!p1 $0x1082;
	[sflag:s4] =	ssyncset.s32 $0xFFFFF086  }
0x25: {  	[simem:s6], [sflag:s4] =	dma.local [hbm:s3], $0xF7A  }
0x26: {  	[smem:$0x3F9E] =	sst s1;
	(tag) =	ssettag s2;
	_ =	strace s9  }
0x27: {  	s1 =	sld [smem:$0x3FAE]  }
0x28: {  	s2 =	sld [smem:$0x3FAF]  }
0x29: {  	s4 =	sld [smem:$0x3FB1]  }
0x2a: {  	p0 =	seq.s32 s5, $0x0;
	s5 =	sld [smem:$0x3FB2]  }
0x2b: {  	s6 =	sld [smem:$0x3FB3]  }
0x2c: {  	s7 =	sld [smem:$0x3FB4]  }
0x2d: {  	s3 =	simm.s32 $0x108;
	s8 =	sld [smem:$0x3FB5]  }
0x2e: {  	s3 =	simm.s32 @!p0 $0x1082;
	s9 =	sld [smem:$0x3FB6]  }
0x2f: {  	lr =	sadd.s32 s0, s3;
	s0 =	sld [smem:$0x3FAD]  }
0x30: {  	s3 =	sld [smem:$0x3FB0]  }
0x31: {  	[smem:$0x3FB9] =	sst s10  }
0x32: {  	s10 =	sld [smem:$0x3FB7];
	_ =	sdelay $0x3  }
0x33: {  	p0 =	seq.s32 s10, $0x1;
	s10 =	sld [smem:$0x3FB9];
	_ =	sdelay $0x3  }
0x34: {  	[smem:$0x3FB9] =	sst s10  }
0x35: {  	s10 =	sld [smem:$0x3FB8];
	_ =	sdelay $0x3  }
0x36: {  	p1 =	seq.s32 s10, $0x1;
	s10 =	sld [smem:$0x3FB9];
	_ =	sdelay $0x3  }
0x37: {  	[smem:$0x3FB9] =	sst s10  }
0x38: {  	s10 =	sld [smem:$0x3FBA]  }
0x39: {  	_ = 	snop;
	(pc) =	sbr.ind lr, $3  }
0x3a: {  	_ = 	snop  }
0x3b: {  	_ = 	snop  }
0x3c: {  	p2 =	seq.s32 s10, $0x1;
	s10 =	sld [smem:$0x3FB9]  }
0x3d: {  	_ =	shalt  }
0x3e: {  	_ =	shalt  }
0x3f: {  	_ =	shalt  }
0x40: {  	_ =	shalt  }
0x41: {  	_ =	shalt  }
0x42: {  	_ =	shalt  }
0x43: {  	_ =	shalt  }
0x44: {  	_ =	shalt  }
0x45: {  	_ =	shalt  }
0x46: {  	_ =	shalt  }
0x47: {  	_ =	shalt  }
0x48: {  	_ =	shalt  }
0x49: {  	_ =	shalt  }
0x4a: {  	_ =	shalt  }
0x4b: {  	_ =	shalt  }
0x4c: {  	_ =	shalt  }
0x4d: {  	_ =	shalt  }
0x4e: {  	_ =	shalt  }
0x4f: {  	_ =	shalt  }
0x50: {  	_ =	shalt  }
0x51: {  	_ =	shalt  }
0x52: {  	_ =	shalt  }
0x53: {  	_ =	shalt  }
0x54: {  	_ =	shalt  }
0x55: {  	_ =	shalt  }
0x56: {  	_ =	shalt  }
0x57: {  	_ =	shalt  }
0x58: {  	_ =	shalt  }
0x59: {  	_ =	shalt  }
0x5a: {  	_ =	shalt  }
0x5b: {  	_ =	shalt  }
0x5c: {  	_ =	shalt  }
0x5d: {  	_ =	shalt  }
0x5e: {  	_ =	shalt  }
0x5f: {  	_ =	shalt  }
0x60: {  	_ =	shalt  }
0x61: {  	_ =	shalt  }
0x62: {  	_ =	shalt  }
0x63: {  	_ =	shalt  }
0x64: {  	_ =	shalt  }
0x65: {  	_ =	shalt  }
0x66: {  	_ =	shalt  }
0x67: {  	_ =	shalt  }
0x68: {  	_ =	shalt  }
0x69: {  	_ =	shalt  }
0x6a: {  	_ =	shalt  }
0x6b: {  	_ =	shalt  }
0x6c: {  	_ =	shalt  }
0x6d: {  	_ =	shalt  }
0x6e: {  	_ =	shalt  }
0x6f: {  	_ =	shalt  }
0x70: {  	_ =	shalt  }
0x71: {  	_ =	shalt  }
0x72: {  	_ =	shalt  }
0x73: {  	_ =	shalt  }
0x74: {  	_ =	shalt  }
0x75: {  	_ =	shalt  }
0x76: {  	_ =	shalt  }
0x77: {  	_ =	shalt  }
0x78: {  	_ =	shalt  }
0x79: {  	_ =	shalt  }
0x7a: {  	_ =	shalt  }
0x7b: {  	_ =	shalt  }
0x7c: {  	_ =	shalt  }
0x7d: {  	_ =	shalt  }
0x7e: {  	_ =	shalt  }
0x7f: {  	_ =	shalt  }
0x80: {  	_ =	shalt  }
0x81: {  	_ =	shalt  }
0x82: {  	_ =	shalt  }
0x83: {  	_ =	shalt  }
0x84: {  	_ =	shalt  }
0x85: {  	_ =	shalt  }
0x86: {  	_ =	shalt  }
0x87: {  	_ =	shalt  }
.Lfunc_end0:
.L_simem_size_0:
called_computation_lowered:
.L_overlay_start_0:
0x88: {  	s2 =	sld [smem:$0x3FD9]  }
0x89: {  	s3 =	sld [smem:$0x3FFE];
	_ =	sdelay $0x1  }
0x8a: {  	s1 =	srdreg.scid  }
0x8b: {  	s0 =	sand.u32 $0x1, s1  }
0x8c: {  	s15 =	sshll.u32 s0, $0xA;
	s2 =	sadd.s32 s3, s2  }
0x8d: {  	s2 =	sadd.s32 s2, s15  }
0x8e: {  	[smem:$0x3FC5] =	sst s2  }
0x8f: {  	_ = 	snop  }
0x90: {  	s2 =	sld [smem:$0x3FD0]  }
0x91: {  	s16 =	sld [smem:$0x3FC9]  }
0x92: {  	s4 =	sld [smem:$0x3FC8]  }
0x93: {  	s6 =	simm.s32 $0xA;
	s7 =	simm.s32 $0x10;
	s5 =	sld [smem:$0x3FC7]  }
0x94: {  	[smem:s7], [sflag:s6] =	dma.local [hbm:s2], $0x1  }
0x95: {  	_ =	swait.eq [sflag:s6], $0x1  }
0x96: {  	[sflag:s6] =	ssyncset.done $0x0  }
0x97: {  	s17 =	sld [smem:$0x10];
	[sflag:s6] =	ssyncadd.s32 $0xFFFFFFFF  }
0x98: {  	s18 =	sld [smem:$0x11];
	(tm) =	ssettm $0x1  }
0x99: {  	s19 =	sld [smem:$0x3FFB];
	_ =	sdelay $0x3  }
0x9a: {  	_ =	strace s19  }
0x9b: {  	s7 =	sld [smem:$0x3FFC];
	_ =	sdelay $0x3  }
0x9c: {  	_ =	strace s7  }
0x9d: {  	s7 =	sld [smem:$0x3FFD];
	_ =	sdelay $0x3  }
0x9e: {  	_ =	strace s7  }
0x9f: {  	_ =	strace $0x8FFFFFFF  }
0xa0: {  	s20 =	sld [smem:$0x3FDB];
	_ =	sdelay $0x1  }
0xa1: {  	s8 =	simm.s32 $_scs_section_size  }
0xa2: {  	s9 =	simm.s32 $_size__tile_overlayer_lowered;
	s10 =	simm.s32 $_tile_overlayer_lowered  }
0xa3: {  	s23 =	simm.s32 $0x1BFF;
	s22 =	sshll.u32 s10, $0x1;
	s7 =	sadd.s32 s8, s20  }
0xa4: {  	s11 =	simm.s32 $0x0;
	s21 =	sshll.u32 s9, $0x1;
	s9 =	sadd.s32 s22, s7  }
0xa5: {  	[timem:s11], [sflag:s23] =	dma.local [hbm:s9], s21  }
0xa6: {  	_ =	swait.ge [sflag:s23], s21  }
0xa7: {  	s8 =	ssub.s32 $0x0, s21;
	[sflag:s23] =	ssyncset.done $0x0  }
0xa8: {  	[sflag:s23] =	ssyncadd.s32 s8;
	_ =	sdelay $0x1  }
0xa9: {  	s24 =	simm.s32 $0x1B8B  }
0xaa: {  	_ =	swait.ge [sflag:s24], $0x1  }
0xab: {  	[sflag:s24] =	ssyncset.done $0x0  }
0xac: {  	s25 =	simm.s32 $0x1B8E;
	[sflag:s24] =	ssyncadd.s32 $0xFFFFFFFF  }
0xad: {  	s26 =	simm.s32 $execute0_lowered;
	[smem:$0x3FD2] =	sst s25  }
0xae: {  	s8 =	sshll.u32 s26, $0x1;
	_ =	strace $0x80000046;
	[dreg:$0x1] =	wrdreg $0xFFFFFFFF  }
0xaf: {  	s28 =	simm.s32 $_size_execute0_lowered;
	s7 =	sadd.s32 s7, s8;
	[dreg:$0x0] =	wrdreg $0x0  }
0xb0: {  	s8 =	sshll.u32 s28, $0x1;
	[dreg:$0x2] =	wrdreg s7  }
0xb1: {  	[dreg:$0x3] =	wrdreg s8  }
0xb2: {  	[dreg:$0x4] =	wrdreg $0xC0  }
0xb3: {  	_ =	task [dreg:s11], $0x5FFFF  }
0xb4: {  	[dreg:$0x1] =	wrdreg $0xFFFFFFFF  }
0xb5: {  	[dreg:$0x0] =	wrdreg $0x60  }
0xb6: {  	[dreg:$0x2] =	wrdreg s16  }
0xb7: {  	[dreg:$0x3] =	wrdreg s4  }
0xb8: {  	[dreg:$0x4] =	wrdreg s5  }
0xb9: {  	[dreg:$0x5] =	wrdreg s17  }
0xba: {  	[dreg:$0x6] =	wrdreg s18  }
0xbb: {  	[dreg:$0x7] =	wrdreg $0x9  }
0xbc: {  	_ =	task.clear_ibuf [dreg:s11], $0x8FFFF;
	_ =	strace $0x90000046  }
0xbd: {  	s29 =	simm.s32 $0x9;
	_ =	strace $0x80000048  }
0xbe: {  	_ =	swait.ge [sflag:s29], $0x1  }
0xbf: {  	[sflag:s29] =	ssyncadd.s32 $0xFFFFFFFF  }
0xc0: {  	_ =	strace $0x90000048  }
0xc1: {  	_ =	sfence  }
0xc2: {  	s30 =	sld [smem:$0x0];
	_ =	sdelay $0x2  }
0xc3: {  	s31 =	sshll.u32 s1, $0xD;
	s1 =	sshrl.u32 s1, $0x2  }
0xc4: {  	s3 =	sand.u32 $0x4000, s31;
	s1 =	sadd.s32 s1, s30  }
0xc5: {  	s0 =	sor.u32 s3, s0;
	s1 =	sshll.u32 s1, $0x11  }
0xc6: {  	s0 =	sor.u32 s1, s0  }
0xc7: {  	s0 =	sadd.s32 $0x8F2B, s0  }
0xc8: {  	[sflag:s0] =	ssyncadd.remote.s32 $0x1  }
0xc9: {  	_ =	sfence.sel $0xFFFF  }
0xca: {  	[dreg:$0x0] =	wrdreg $0xFFFFFFFF;
	(pc) =	sbr.abs _section_cstart, $3  }
0xcb: {  	[dreg:$0x1] =	wrdreg $0xFFFFFFFF  }
0xcc: {  	_ =	task.clear_ibuf [dreg:s11], $0x2FFFF;
	_ =	strace $0x9FFFFFFF  }
0xcd: {  	(tm) =	ssettm $0x7FFFFFFF  }
tec
execute0_lowered:
.L_overlay_start_1:
0x0: {  	(tag) =	ssettag $0x1  }
0x1: {  	s0 =	srdreg.scid  }
0x2: {  	s14 =	sand.u32 $0x1, s0;
	s0 =	stileid.u32  }
0x3: {  	s7 =	sshll.u32 s0, $0x1;
	s8 =	ssub.s32 $0x0, s14  }
0x4: {  	s1 =	rddreg [dreg:$0x0];
	p0 =	sne.s32 s7, s8  }
.Ltmp0:
0x5: {  	s3 =	rddreg [dreg:$0x1];
	(pc) =	sbr.rel @p0 .LBB2_4-.Ltmp0, $4  }
0x6: {  	s4 =	rddreg [dreg:$0x2]  }
0x7: {  	s5 =	rddreg [dreg:$0x3]  }
0x8: {  	s6 =	rddreg [dreg:$0x4]  }
0x9: {  	s2 =	rddreg [dreg:$0x5];
	_ =	strace $0x80000047  }
0xa: {  	s8 =	simm.s32 $0x0;
	s7 =	simm.s32 $0x3  }
0xb: {  	[tilespmem:s8], [sflag:$0x3] =	stream.linear.gather [hbm4b:s4+s8], $0x80, $0x38;
	[tilespmem:$0x180] =	vst v63  }
0xc: {  	_ =	swait.ge [sflag:s7], $0x80  }
0xd: {  	[sflag:s7] =	ssyncset.done $0x0  }
0xe: {  	s9 =	simm.s32 $0x40;
	s10 =	simm.s32 $0x80;
	[sflag:s7] =	ssyncadd.s32 $0xFFFFFF80  }
0xf: {  	[tilespmem:s10], [sflag:$0x1] =	stream.indirect.gather [hbm4b:s1+s9], $0x1, s8, s9, $0xb8;
	[tilespmem:$0x180] =	vst v63  }
0x10: {  	s11 =	simm.s32 $0x100;
	s12 =	simm.s32 $0x1  }
0x11: {  	[tilespmem:s11], [sflag:$0x2] =	stream.indirect.gather [hbm4b:s3+s9], $0x1, s8, s9, $0xb8;
	[tilespmem:$0x180] =	vst v63  }
0x12: {  	_ =	swait.ge [sflag:s12], $0x40  }
0x13: {  	[sflag:s12] =	ssyncset.done $0x0  }
0x14: {  	s13 =	simm.s32 $0x2;
	s14 =	ssub.s32 $0x2, s14;
	[sflag:s12] =	ssyncadd.s32 $0xFFFFFFC0  }
0x15: {  	s15 =	sshrl.u32 s14, $0x1;
	_ =	swait.ge [sflag:s13], $0x40  }
0x16: {  	s14 =	ssub.s32 s14, s15;
	[sflag:s13] =	ssyncset.done $0x0  }
0x17: {  	s14 =	smax.u32 s14, $0x1;
	[sflag:s13] =	ssyncadd.s32 $0xFFFFFFC0  }
0x18: {  	[hbm4b:s5+s8] =	stream.linear.scatter [tilespmem:s10], [sflag:$0x3], $0x80, $0x38;
	[tilespmem:$0x180] =	vst v63  }
0x19: {  	p0 =	sne.s32 s14, $0x1;
	_ =	swait.ge [sflag:s7], $0x80  }
.Ltmp1:
0x1a: {  	[sflag:s7] =	ssyncset.done $0x0;
	(pc) =	sbr.rel @!p0 .LBB2_3-.Ltmp1, $4  }
0x1b: {  	[sflag:s7] =	ssyncadd.s32 $0xFFFFFF80  }
0x1c: {  	[hbm4b:s6+s8] =	stream.linear.scatter [tilespmem:s11], [sflag:$0x3], $0x80, $0x38;
	[tilespmem:$0x180] =	vst v63  }
0x1d: {  	_ =	swait.ge [sflag:s7], $0x80  }
0x1e: {  	s14 =	sadd.s32 $0xFFFFFFFF, s14;
	[sflag:s7] =	ssyncset.done $0x0  }
.LBB2_2:
0x1f: {  	p0 =	sne.s32 s14, $0x1;
	s14 =	sadd.s32 $0xFFFFFFFF, s14;
	[sflag:s7] =	ssyncadd.s32 $0xFFFFFF80  }
0x20: {  	[tilespmem:s8], [sflag:$0x3] =	stream.linear.gather [hbm4b:s4+s8], $0x80, $0x38;
	[tilespmem:$0x180] =	vst v63  }
0x21: {  	_ =	swait.ge [sflag:s7], $0x80  }
0x22: {  	[sflag:s7] =	ssyncset.done $0x0  }
0x23: {  	[sflag:s7] =	ssyncadd.s32 $0xFFFFFF80  }
0x24: {  	[tilespmem:s10], [sflag:$0x1] =	stream.indirect.gather [hbm4b:s1+s9], $0x1, s8, s9, $0xb8;
	[tilespmem:$0x180] =	vst v63  }
0x25: {  	_ = 	snop  }
0x26: {  	[tilespmem:s11], [sflag:$0x2] =	stream.indirect.gather [hbm4b:s3+s9], $0x1, s8, s9, $0xb8;
	[tilespmem:$0x180] =	vst v63  }
0x27: {  	_ =	swait.ge [sflag:s12], $0x40  }
0x28: {  	[sflag:s12] =	ssyncset.done $0x0  }
0x29: {  	[sflag:s12] =	ssyncadd.s32 $0xFFFFFFC0  }
0x2a: {  	_ =	swait.ge [sflag:s13], $0x40  }
0x2b: {  	[sflag:s13] =	ssyncset.done $0x0  }
0x2c: {  	[sflag:s13] =	ssyncadd.s32 $0xFFFFFFC0  }
0x2d: {  	[hbm4b:s5+s8] =	stream.linear.scatter [tilespmem:s10], [sflag:$0x3], $0x80, $0x38;
	[tilespmem:$0x180] =	vst v63  }
0x2e: {  	_ =	swait.ge [sflag:s7], $0x80  }
.Ltmp2:
0x2f: {  	[sflag:s7] =	ssyncset.done $0x0;
	(pc) =	sbr.rel @p0 .LBB2_2-.Ltmp2, $4  }
0x30: {  	[sflag:s7] =	ssyncadd.s32 $0xFFFFFF80  }
0x31: {  	[hbm4b:s6+s8] =	stream.linear.scatter [tilespmem:s11], [sflag:$0x3], $0x80, $0x38;
	[tilespmem:$0x180] =	vst v63  }
0x32: {  	_ =	swait.ge [sflag:s7], $0x80  }
0x33: {  	[sflag:s7] =	ssyncset.done $0x0  }
.LBB2_3:
0x34: {  	[sflag:s7] =	ssyncadd.s32 $0xFFFFFF80  }
.LBB2_4:
0x35: {  	_ =	sfence.sel $0x180000  }
0x36: {  	[bflag:$0x0] =	sbarrier.arrive $0xFFFF  }
0x37: {  	p0 =	sne.s32 s0, $0x0;
	_ =	strace $0x90000047  }
0x38: {  	s0 =	sadd.s32 @!p0 $0x100000, s2;
	[bflag:$0x2] =	sbarrier.arrive $0xFFFF  }
0x39: {  	[sflag:s0] =	ssyncadd.tile.s32 @!p0 $0x1;
	_ =	shalt  }
.Lfunc_end2:
_tile_overlayer_lowered:
.L_overlay_start_2:
0x3a: {  	(tag) =	ssettag $0x2  }
0x3b: {  	s0 =	rddreg [dreg:$0x0];
	s2 =	stileid.u32  }
0x3c: {  	s1 =	rddreg [dreg:$0x1];
	p0 =	sne.s32 s2, $0x0  }
0x3d: {  	s3 =	rddreg [dreg:$0x2];
	[bflag:$0x3] =	sbarrier.arrive $0xFFFF;
	s2 =	simm.s32 @!p0 $0x1C03  }
0x3e: {  	[timem:s3], [sflag:s2] =	dma.local @!p0 [hbm:s0], s1  }
0x3f: {  	s0 =	simm.s32 @!p0 $0x3  }
0x40: {  	_ =	swait.ge @!p0 [sflag:s0], s1  }
0x41: {  	s1 =	ssub.s32 @!p0 $0x0, s1;
	[sflag:s0] =	ssyncset.done @!p0 $0x0  }
0x42: {  	[sflag:s0] =	ssyncadd.s32 @!p0 s1  }
0x43: {  	[bflag:$0x3] =	sbarrier.arrive $0xFFFF  }
0x44: {  	_ =	shalt  }

</sc_bundles>
